<compile_context>
chip_gen: v7x
topology: tpu7x:2x2x1
jax: 0.10.2.dev20260603
libtpu: 0.0.44.dev20260713+nightly
codegen_flags: <defaults>
</compile_context>

<pallas_src>
import functools

import jax
import jax.numpy as jnp
from jax import lax
from jax.experimental import pallas as pl
from jax.experimental.pallas import tpu as pltpu
from jax.experimental.pallas import tpu_sc as plsc

_N_EMBED = 1024
_EMBED_DIM = 256
_BETA = 0.25
_B, _T = 16, 576
_ROWS = _B * _T
_BLK = 2304
_GRID = _ROWS // _BLK
_LANES = 128
_NVREG = _N_EMBED // _LANES
_SLAB = 512


def _dist_argmin_body(z_ref, cb_ref, idx_ref, dsum_ref, csq_ref):
    @pl.when(pl.program_id(0) == 0)
    def _init():
        cb0 = cb_ref[...]
        csq_ref[...] = jnp.sum(cb0 * cb0, axis=1).reshape(1, _N_EMBED)
        dsum_ref[...] = jnp.zeros((1, 1), jnp.float32)

    z = z_ref[...]
    n = jnp.sqrt(jnp.sum(z * z, axis=1, keepdims=True))
    zn = z / jnp.maximum(n, 1e-12)
    zsq = jnp.sum(zn * zn, axis=1, keepdims=True)
    znm2 = zn * (-2.0)
    lane = lax.broadcasted_iota(jnp.int32, (_BLK, _LANES), 1)
    best = None
    bidx = lane
    for s in range(_N_EMBED // _SLAB):
        dot2 = lax.dot_general(znm2, cb_ref[_SLAB * s:_SLAB * (s + 1), :],
                               (((1,), (1,)), ((), ())),
                               preferred_element_type=jnp.float32)
        d = (zsq + csq_ref[:, _SLAB * s:_SLAB * (s + 1)]) + dot2
        for jj in range(_SLAB // _LANES):
            j = s * (_SLAB // _LANES) + jj
            cur = d[:, _LANES * jj:_LANES * (jj + 1)]
            if best is None:
                best = cur
                continue
            m = cur < best
            best = jnp.where(m, cur, best)
            bidx = jnp.where(m, lane + _LANES * j, bidx)
    dmin = jnp.min(best, axis=1, keepdims=True)
    cand = jnp.where(best == dmin, bidx, _N_EMBED)
    idx_ref[0, 0, :] = jnp.min(cand, axis=1).astype(jnp.int32)
    dsum_ref[...] += jnp.sum(dmin).reshape(1, 1)


def _dist_argmin(z_flat, codebook):
    return pl.pallas_call(
        _dist_argmin_body,
        grid=(_GRID,),
        in_specs=[
            pl.BlockSpec((_BLK, _EMBED_DIM), lambda i: (i, 0)),
            pl.BlockSpec((_N_EMBED, _EMBED_DIM), lambda i: (0, 0)),
        ],
        out_specs=[
            pl.BlockSpec((1, 1, _BLK), lambda i: (i, 0, 0)),
            pl.BlockSpec((1, 1), lambda i: (0, 0)),
        ],
        out_shape=[
            jax.ShapeDtypeStruct((_GRID, 1, _BLK), jnp.int32),
            jax.ShapeDtypeStruct((1, 1), jnp.float32),
        ],
        scratch_shapes=[pltpu.VMEM((1, _N_EMBED), jnp.float32)],
    )(z_flat, codebook)


def _make_sc_gather():
    info = plsc.get_sparse_core_info()
    nw = info.num_cores * info.num_subcores
    b_per_w = _ROWS // nw
    mesh = plsc.VectorSubcoreMesh(core_axis_name="c", subcore_axis_name="s")

    half = b_per_w // 2

    @functools.partial(
        pl.kernel, mesh=mesh,
        out_type=jax.ShapeDtypeStruct((_ROWS, _EMBED_DIM), jnp.float32),
        scratch_types=[
            pltpu.VMEM((half,), jnp.int32),
            pltpu.VMEM((half,), jnp.int32),
            pltpu.VMEM((half, _EMBED_DIM), jnp.float32),
            pltpu.VMEM((half, _EMBED_DIM), jnp.float32),
            pltpu.SemaphoreType.DMA,
            pltpu.SemaphoreType.DMA,
            pltpu.SemaphoreType.DMA,
            pltpu.SemaphoreType.DMA,
        ],
    )
    def gather_rows(table_hbm, idx_hbm, out_hbm,
                    idx_a, idx_b, rows_a, rows_b, s1, s2, s3, s4):
        wid = lax.axis_index("s") * info.num_cores + lax.axis_index("c")
        base = wid * b_per_w
        pltpu.sync_copy(idx_hbm.at[pl.ds(base, half)], idx_a)
        ga = pltpu.async_copy(table_hbm.at[idx_a], rows_a, s1)
        pltpu.sync_copy(idx_hbm.at[pl.ds(base + half, half)], idx_b)
        gb = pltpu.async_copy(table_hbm.at[idx_b], rows_b, s2)
        ga.wait()
        wa = pltpu.async_copy(rows_a, out_hbm.at[pl.ds(base, half)], s3)
        gb.wait()
        wb = pltpu.async_copy(rows_b, out_hbm.at[pl.ds(base + half, half)], s4)
        wa.wait()
        wb.wait()

    return gather_rows


def kernel(z, codebook):
    z_flat = z.reshape(_ROWS, _EMBED_DIM)
    idx3, dsum = _dist_argmin(z_flat, codebook)
    idx = idx3.reshape(_ROWS)
    z_q = _make_sc_gather()(codebook, idx)
    loss = (_BETA / (_ROWS * _EMBED_DIM)) * dsum[0, 0]
    z_q_st = z_q.reshape(z.shape)
    return (z_q_st, loss, idx.reshape(_B, _T))

# --- scband reference (transcript-rebuilt; emitter-appended) ---
"""Pipeline reference for scband-norm-emavector-quantizer-61065845014873 (READ-ONLY COPY).

The authoritative reference and input builder live on the scoring server;
editing this copy changes nothing except your own understanding.
"""

import jax, jax.numpy as jnp
import numpy as np

N_EMBED = 1024
EMBED_DIM = 256
BETA = 0.25

def l2norm(t, eps=1e-12):
    n = jnp.linalg.norm(t, axis=-1, keepdims=True)
    return t / jnp.maximum(n, eps)

def setup_inputs(seed: int = 0) -> dict:
    key = jax.random.key(seed)
    k1, k2 = jax.random.split(key)
    z = jax.random.normal(k1, (16, 576, 256), dtype=jnp.float32)
    # EMA codebook weight (non-trainable parameter); l2-normalized as the
    # norm-EMA update keeps it on the unit sphere after kmeans init.
    codebook = l2norm(jax.random.normal(k2, (N_EMBED, EMBED_DIM), dtype=jnp.float32))
    return {"z": z, "codebook": codebook}

def reference(z, codebook):
    # eval-mode forward of NormEMAVectorQuantizer (EMA buffer updates are
    # in-place side effects on buffers and do not affect the returned values)
    z = l2norm(z)
    z_flattened = z.reshape(-1, EMBED_DIM)
    d = (jnp.sum(z_flattened ** 2, axis=1, keepdims=True)
         + jnp.sum(codebook ** 2, axis=1)
         - 2.0 * jnp.einsum('bd,nd->bn', z_flattened, codebook))
    encoding_indices = jnp.argmin(d, axis=1)
    z_q = jnp.take(codebook, encoding_indices, axis=0).reshape(z.shape)
    loss = BETA * jnp.mean((jax.lax.stop_gradient(z_q) - z) ** 2)
    z_q_st = z + jax.lax.stop_gradient(z_q - z)
    encoding_indices = encoding_indices.reshape(z.shape[:-1])
    return (z_q_st, loss, encoding_indices)

if __name__ == "__main__":
    import jax
    _d = setup_inputs()
    print(jax.jit(kernel)(*tuple(_d.values())))

</pallas_src>

<mosaic_0001>
#map = affine_map<(d0, d1) -> (0, 0)>
#map1 = affine_map<(d0, d1) -> (0)>
module attributes {stable_mosaic.version = 14 : i64} {
  func.func @gather_rows(%arg0: i32, %arg1: i32, %arg2: memref<1024x256xf32, #tpu.memory_space<hbm>>, %arg3: memref<9216xi32, #tpu.memory_space<hbm>>, %arg4: memref<9216x256xf32, #tpu.memory_space<hbm>>, %arg5: memref<144xi32, #tpu.memory_space<vmem>>, %arg6: memref<144xi32, #tpu.memory_space<vmem>>, %arg7: memref<144x256xf32, #tpu.memory_space<vmem>>, %arg8: memref<144x256xf32, #tpu.memory_space<vmem>>, %arg9: memref<!tpu.dma_semaphore, #tpu.memory_space<semaphore_mem>>, %arg10: memref<!tpu.dma_semaphore, #tpu.memory_space<semaphore_mem>>, %arg11: memref<!tpu.dma_semaphore, #tpu.memory_space<semaphore_mem>>, %arg12: memref<!tpu.dma_semaphore, #tpu.memory_space<semaphore_mem>>) attributes {dimension_semantics = [#tpu.dimension_semantics<core_parallel>, #tpu.dimension_semantics<subcore_parallel>], iteration_bounds = array<i64: 2, 16>, scalar_prefetch = 0 : i64, scratch_operands = 8 : i64, tpu.core_type = #tpu.core_type<sc_vector_subcore>, window_params = [{transform_indices = #map}, {transform_indices = #map1}, {transform_indices = #map}]} {
    %mul3A = arith.constant 2 : i32
    %mul3A_0 = arith.muli %arg1, %mul3A : i32
    %add3A = arith.addi %mul3A_0, %arg0 : i32
    %mul3A_1 = arith.constant 288 : i32
    %mul3A_2 = arith.muli %add3A, %mul3A_1 : i32
    "tpu.region"() ({
      %run_scoped3A = tpu.sem_alloc : memref<!tpu.dma_semaphore, #tpu.memory_space<semaphore_mem>>
      %dma_start3A_33 = tpu.memref_slice %arg3[%mul3A_2] : memref<9216xi32, #tpu.memory_space<hbm>> -> memref<144xi32, #tpu.memory_space<hbm>>
      %dma_start3A_34 = tpu.memref_slice %arg3[%mul3A_2] : memref<9216xi32, #tpu.memory_space<hbm>> -> memref<144xi32, #tpu.memory_space<hbm>>
      tpu.enqueue_dma source(%dma_start3A_34 : memref<144xi32, #tpu.memory_space<hbm>>) target(%arg5 : memref<144xi32, #tpu.memory_space<vmem>>) target_semaphore(%run_scoped3A : memref<!tpu.dma_semaphore, #tpu.memory_space<semaphore_mem>>)
      %dma_wait3A_35 = tpu.memref_slice %arg3[%mul3A_2] : memref<9216xi32, #tpu.memory_space<hbm>> -> memref<144xi32, #tpu.memory_space<hbm>>
      %dma_wait3A_36 = tpu.memref_slice %arg3[%mul3A_2] : memref<9216xi32, #tpu.memory_space<hbm>> -> memref<144xi32, #tpu.memory_space<hbm>>
      tpu.wait_dma2 semaphore(%run_scoped3A : memref<!tpu.dma_semaphore, #tpu.memory_space<semaphore_mem>>) src(%dma_wait3A_36 : memref<144xi32, #tpu.memory_space<hbm>>) dst(%arg5 : memref<144xi32, #tpu.memory_space<vmem>>)
      tpu.yield
    }) : () -> ()
    %dma_start3A = arith.constant 0 : i32
    %dma_start3A_3 = arith.constant 0 : i32
    %dma_start3A_4 = tpu.memref_slice %arg2[%dma_start3A, %dma_start3A_3] : memref<1024x256xf32, #tpu.memory_space<hbm>> -> memref<1024x256xf32, #tpu.memory_space<hbm>>
    tpu.enqueue_indirect_dma source(%dma_start3A_4 : memref<1024x256xf32, #tpu.memory_space<hbm>>) target(%arg7 : memref<144x256xf32, #tpu.memory_space<vmem>>) offsets(%arg5 : memref<144xi32, #tpu.memory_space<vmem>>) semaphore(%arg9 : memref<!tpu.dma_semaphore, #tpu.memory_space<semaphore_mem>>)
    %add3A_5 = arith.constant 144 : i32
    %add3A_6 = arith.addi %mul3A_2, %add3A_5 : i32
    "tpu.region"() ({
      %run_scoped3A = tpu.sem_alloc : memref<!tpu.dma_semaphore, #tpu.memory_space<semaphore_mem>>
      %dma_start3A_33 = tpu.memref_slice %arg3[%add3A_6] : memref<9216xi32, #tpu.memory_space<hbm>> -> memref<144xi32, #tpu.memory_space<hbm>>
      %dma_start3A_34 = tpu.memref_slice %arg3[%add3A_6] : memref<9216xi32, #tpu.memory_space<hbm>> -> memref<144xi32, #tpu.memory_space<hbm>>
      tpu.enqueue_dma source(%dma_start3A_34 : memref<144xi32, #tpu.memory_space<hbm>>) target(%arg6 : memref<144xi32, #tpu.memory_space<vmem>>) target_semaphore(%run_scoped3A : memref<!tpu.dma_semaphore, #tpu.memory_space<semaphore_mem>>)
      %dma_wait3A_35 = tpu.memref_slice %arg3[%add3A_6] : memref<9216xi32, #tpu.memory_space<hbm>> -> memref<144xi32, #tpu.memory_space<hbm>>
      %dma_wait3A_36 = tpu.memref_slice %arg3[%add3A_6] : memref<9216xi32, #tpu.memory_space<hbm>> -> memref<144xi32, #tpu.memory_space<hbm>>
      tpu.wait_dma2 semaphore(%run_scoped3A : memref<!tpu.dma_semaphore, #tpu.memory_space<semaphore_mem>>) src(%dma_wait3A_36 : memref<144xi32, #tpu.memory_space<hbm>>) dst(%arg6 : memref<144xi32, #tpu.memory_space<vmem>>)
      tpu.yield
    }) : () -> ()
    %dma_start3A_7 = arith.constant 0 : i32
    %dma_start3A_8 = arith.constant 0 : i32
    %dma_start3A_9 = tpu.memref_slice %arg2[%dma_start3A_7, %dma_start3A_8] : memref<1024x256xf32, #tpu.memory_space<hbm>> -> memref<1024x256xf32, #tpu.memory_space<hbm>>
    tpu.enqueue_indirect_dma source(%dma_start3A_9 : memref<1024x256xf32, #tpu.memory_space<hbm>>) target(%arg8 : memref<144x256xf32, #tpu.memory_space<vmem>>) offsets(%arg6 : memref<144xi32, #tpu.memory_space<vmem>>) semaphore(%arg10 : memref<!tpu.dma_semaphore, #tpu.memory_space<semaphore_mem>>)
    %dma_wait3A = arith.constant 0 : i32
    %dma_wait3A_10 = arith.constant 0 : i32
    %dma_wait3A_11 = tpu.memref_slice %arg2[%dma_wait3A, %dma_wait3A_10] : memref<1024x256xf32, #tpu.memory_space<hbm>> -> memref<1024x256xf32, #tpu.memory_space<hbm>>
    tpu.wait_indirect_dma semaphore(%arg9 : memref<!tpu.dma_semaphore, #tpu.memory_space<semaphore_mem>>) src(%dma_wait3A_11 : memref<1024x256xf32, #tpu.memory_space<hbm>>) dst(%arg7 : memref<144x256xf32, #tpu.memory_space<vmem>>)
    %dma_start3A_12 = arith.constant 0 : i32
    %dma_start3A_13 = tpu.memref_slice %arg4[%mul3A_2, %dma_start3A_12] : memref<9216x256xf32, #tpu.memory_space<hbm>> -> memref<144x256xf32, #tpu.memory_space<hbm>>
    %dma_start3A_14 = arith.constant 0 : i32
    %dma_start3A_15 = tpu.memref_slice %arg4[%mul3A_2, %dma_start3A_14] : memref<9216x256xf32, #tpu.memory_space<hbm>> -> memref<144x256xf32, #tpu.memory_space<hbm>>
    tpu.enqueue_dma source(%arg7 : memref<144x256xf32, #tpu.memory_space<vmem>>) target(%dma_start3A_15 : memref<144x256xf32, #tpu.memory_space<hbm>>) target_semaphore(%arg11 : memref<!tpu.dma_semaphore, #tpu.memory_space<semaphore_mem>>)
    %dma_wait3A_16 = arith.constant 0 : i32
    %dma_wait3A_17 = arith.constant 0 : i32
    %dma_wait3A_18 = tpu.memref_slice %arg2[%dma_wait3A_16, %dma_wait3A_17] : memref<1024x256xf32, #tpu.memory_space<hbm>> -> memref<1024x256xf32, #tpu.memory_space<hbm>>
    tpu.wait_indirect_dma semaphore(%arg10 : memref<!tpu.dma_semaphore, #tpu.memory_space<semaphore_mem>>) src(%dma_wait3A_18 : memref<1024x256xf32, #tpu.memory_space<hbm>>) dst(%arg8 : memref<144x256xf32, #tpu.memory_space<vmem>>)
    %add3A_19 = arith.constant 144 : i32
    %add3A_20 = arith.addi %mul3A_2, %add3A_19 : i32
    %dma_start3A_21 = arith.constant 0 : i32
    %dma_start3A_22 = tpu.memref_slice %arg4[%add3A_20, %dma_start3A_21] : memref<9216x256xf32, #tpu.memory_space<hbm>> -> memref<144x256xf32, #tpu.memory_space<hbm>>
    %dma_start3A_23 = arith.constant 0 : i32
    %dma_start3A_24 = tpu.memref_slice %arg4[%add3A_20, %dma_start3A_23] : memref<9216x256xf32, #tpu.memory_space<hbm>> -> memref<144x256xf32, #tpu.memory_space<hbm>>
    tpu.enqueue_dma source(%arg8 : memref<144x256xf32, #tpu.memory_space<vmem>>) target(%dma_start3A_24 : memref<144x256xf32, #tpu.memory_space<hbm>>) target_semaphore(%arg12 : memref<!tpu.dma_semaphore, #tpu.memory_space<semaphore_mem>>)
    %dma_wait3A_25 = arith.constant 0 : i32
    %dma_wait3A_26 = tpu.memref_slice %arg4[%mul3A_2, %dma_wait3A_25] : memref<9216x256xf32, #tpu.memory_space<hbm>> -> memref<144x256xf32, #tpu.memory_space<hbm>>
    %dma_wait3A_27 = arith.constant 0 : i32
    %dma_wait3A_28 = tpu.memref_slice %arg4[%mul3A_2, %dma_wait3A_27] : memref<9216x256xf32, #tpu.memory_space<hbm>> -> memref<144x256xf32, #tpu.memory_space<hbm>>
    tpu.wait_dma2 semaphore(%arg11 : memref<!tpu.dma_semaphore, #tpu.memory_space<semaphore_mem>>) src(%arg7 : memref<144x256xf32, #tpu.memory_space<vmem>>) dst(%dma_wait3A_28 : memref<144x256xf32, #tpu.memory_space<hbm>>)
    %dma_wait3A_29 = arith.constant 0 : i32
    %dma_wait3A_30 = tpu.memref_slice %arg4[%add3A_20, %dma_wait3A_29] : memref<9216x256xf32, #tpu.memory_space<hbm>> -> memref<144x256xf32, #tpu.memory_space<hbm>>
    %dma_wait3A_31 = arith.constant 0 : i32
    %dma_wait3A_32 = tpu.memref_slice %arg4[%add3A_20, %dma_wait3A_31] : memref<9216x256xf32, #tpu.memory_space<hbm>> -> memref<144x256xf32, #tpu.memory_space<hbm>>
    tpu.wait_dma2 semaphore(%arg12 : memref<!tpu.dma_semaphore, #tpu.memory_space<semaphore_mem>>) src(%arg8 : memref<144x256xf32, #tpu.memory_space<vmem>>) dst(%dma_wait3A_32 : memref<144x256xf32, #tpu.memory_space<hbm>>)
    return
  }
}

module attributes {stable_mosaic.version = 14 : i64} {
  func.func @_dist_argmin_body(%arg0: i32, %arg1: memref<2304x256xf32, #tpu.memory_space<vmem>>, %arg2: memref<1024x256xf32, #tpu.memory_space<vmem>>, %arg3: memref<1x1x2304xi32, #tpu.memory_space<vmem>>, %arg4: memref<1x1xf32, #tpu.memory_space<vmem>>, %arg5: memref<1x1024xf32, #tpu.memory_space<vmem>>) attributes {dimension_semantics = [#tpu.dimension_semantics<arbitrary>], iteration_bounds = array<i64: 4>, scalar_prefetch = 0 : i64, scratch_operands = 1 : i64, tpu.core_type = #tpu.core_type<tc>, window_params = [{transform_indices = @transform_0, window_bounds = array<i64: 2304, 256>}, {pipeline_mode = #tpu.pipeline_mode<synchronous>, transform_indices = @transform_1, window_bounds = array<i64: 1024, 256>}, {transform_indices = @transform_2, window_bounds = array<i64: 1, 1, 2304>}, {pipeline_mode = #tpu.pipeline_mode<synchronous>, transform_indices = @transform_3, window_bounds = array<i64: 1, 1>}]} {
    %eq3A = arith.constant 0 : i32
    %eq3A_0 = arith.cmpi eq, %arg0, %eq3A : i32
    %convert_element_type3A = arith.extui %eq3A_0 : i1 to i32
    %cond3A = arith.constant 0 : i32
    %cond3A_1 = arith.cmpi ne, %convert_element_type3A, %cond3A : i32
    scf.if %cond3A_1 {
      %get3A_109 = arith.constant 0 : index
      %get3A_110 = arith.constant 0 : index
      %get3A_111 = vector.load %arg2[%get3A_109, %get3A_110] : memref<1024x256xf32, #tpu.memory_space<vmem>>, vector<1024x256xf32>
      %mul3A_112 = arith.mulf %get3A_111, %get3A_111 : vector<1024x256xf32>
      %reduce_sum3A_113 = arith.constant dense<0.000000e+00> : vector<1024xf32>
      %reduce_sum3A_114 = vector.multi_reduction <add>, %mul3A_112, %reduce_sum3A_113 [1] : vector<1024x256xf32> to vector<1024xf32>
      %reshape3A_115 = vector.shape_cast %reduce_sum3A_114 : vector<1024xf32> to vector<1x1024xf32>
      %swap3A_116 = arith.constant 0 : index
      %swap3A_117 = arith.constant 0 : index
      %swap3A_118 = vector.load %arg5[%swap3A_116, %swap3A_117] : memref<1x1024xf32, #tpu.memory_space<vmem>>, vector<1x1024xf32>
      tpu.vector_store %arg5[%swap3A_116, %swap3A_117], %reshape3A_115 {strides = array<i32>} : memref<1x1024xf32, #tpu.memory_space<vmem>>, vector<1x1024xf32>,
      %broadcast_in_dim3A_119 = arith.constant 0.000000e+00 : f32
      %broadcast_in_dim3A_120 = vector.broadcast %broadcast_in_dim3A_119 : f32 to vector<1x1xf32>
      %swap3A_121 = arith.constant 0 : index
      %swap3A_122 = arith.constant 0 : index
      %swap3A_123 = vector.load %arg4[%swap3A_121, %swap3A_122] : memref<1x1xf32, #tpu.memory_space<vmem>>, vector<1x1xf32>
      tpu.vector_store %arg4[%swap3A_121, %swap3A_122], %broadcast_in_dim3A_120 {strides = array<i32>} : memref<1x1xf32, #tpu.memory_space<vmem>>, vector<1x1xf32>,
    } else {
    }
    %get3A = arith.constant 0 : index
    %get3A_2 = arith.constant 0 : index
    %get3A_3 = vector.load %arg1[%get3A, %get3A_2] : memref<2304x256xf32, #tpu.memory_space<vmem>>, vector<2304x256xf32>
    %mul3A = arith.mulf %get3A_3, %get3A_3 : vector<2304x256xf32>
    %reduce_sum3A = arith.constant dense<0.000000e+00> : vector<2304xf32>
    %reduce_sum3A_4 = vector.multi_reduction <add>, %mul3A, %reduce_sum3A [1] : vector<2304x256xf32> to vector<2304xf32>
    %broadcast_in_dim3A = vector.shape_cast %reduce_sum3A_4 : vector<2304xf32> to vector<2304x1xf32>
    %sqrt3A = math.sqrt %broadcast_in_dim3A : vector<2304x1xf32>
    %max3A = arith.constant 9.99999996E-13 : f32
    %max3A_5 = vector.broadcast %max3A : f32 to vector<2304x1xf32>
    %max3A_6 = arith.maximumf %sqrt3A, %max3A_5 : vector<2304x1xf32>
    %div3A = vector.broadcast %max3A_6 : vector<2304x1xf32> to vector<2304x256xf32>
    %div3A_7 = arith.divf %get3A_3, %div3A : vector<2304x256xf32>
    %mul3A_8 = arith.mulf %div3A_7, %div3A_7 : vector<2304x256xf32>
    %reduce_sum3A_9 = arith.constant dense<0.000000e+00> : vector<2304xf32>
    %reduce_sum3A_10 = vector.multi_reduction <add>, %mul3A_8, %reduce_sum3A_9 [1] : vector<2304x256xf32> to vector<2304xf32>
    %broadcast_in_dim3A_11 = vector.shape_cast %reduce_sum3A_10 : vector<2304xf32> to vector<2304x1xf32>
    %mul3A_12 = arith.constant -2.000000e+00 : f32
    %mul3A_13 = vector.broadcast %mul3A_12 : f32 to vector<2304x256xf32>
    %mul3A_14 = arith.mulf %div3A_7, %mul3A_13 : vector<2304x256xf32>
    %iota3A = tpu.iota {dimensions = array<i32: 1>} : vector<2304x128xi32>
    %get3A_15 = arith.constant 0 : index
    %get3A_16 = arith.constant 0 : index
    %get3A_17 = vector.load %arg2[%get3A_15, %get3A_16] : memref<1024x256xf32, #tpu.memory_space<vmem>>, vector<512x256xf32>
    %dot_general3A = arith.constant dense<0.000000e+00> : vector<2304x512xf32>
    %dot_general3A_18 = tpu.matmul %mul3A_14, %get3A_17, %dot_general3A {dimension_numbers = #tpu.dot_dimension_numbers<[1], [1], [0], [0], [0, 0, 1, 0], [], []>, transpose_lhs_hint = false} : vector<2304x256xf32>, vector<512x256xf32>, vector<2304x512xf32> -> vector<2304x512xf32>
    %get3A_19 = arith.constant 0 : index
    %get3A_20 = arith.constant 0 : index
    %get3A_21 = vector.load %arg5[%get3A_19, %get3A_20] : memref<1x1024xf32, #tpu.memory_space<vmem>>, vector<1x512xf32>
    %add3A = vector.broadcast %broadcast_in_dim3A_11 : vector<2304x1xf32> to vector<2304x512xf32>
    %add3A_22 = vector.broadcast %get3A_21 : vector<1x512xf32> to vector<2304x512xf32>
    %add3A_23 = arith.addf %add3A, %add3A_22 : vector<2304x512xf32>
    %add3A_24 = arith.addf %add3A_23, %dot_general3A_18 : vector<2304x512xf32>
    %slice3A = vector.extract_strided_slice %add3A_24 {offsets = [0, 0], sizes = [2304, 128], strides = [1, 1]} : vector<2304x512xf32> to vector<2304x128xf32>
    %slice3A_25 = vector.extract_strided_slice %add3A_24 {offsets = [0, 128], sizes = [2304, 128], strides = [1, 1]} : vector<2304x512xf32> to vector<2304x128xf32>
    %lt3A = arith.cmpf olt, %slice3A_25, %slice3A : vector<2304x128xf32>
    %select_n3A = arith.select %lt3A, %slice3A_25, %slice3A : vector<2304x128xi1>, vector<2304x128xf32>
    %add3A_26 = arith.constant 128 : i32
    %add3A_27 = vector.broadcast %add3A_26 : i32 to vector<2304x128xi32>
    %add3A_28 = arith.addi %iota3A, %add3A_27 : vector<2304x128xi32>
    %select_n3A_29 = arith.select %lt3A, %add3A_28, %iota3A : vector<2304x128xi1>, vector<2304x128xi32>
    %slice3A_30 = vector.extract_strided_slice %add3A_24 {offsets = [0, 256], sizes = [2304, 128], strides = [1, 1]} : vector<2304x512xf32> to vector<2304x128xf32>
    %lt3A_31 = arith.cmpf olt, %slice3A_30, %select_n3A : vector<2304x128xf32>
    %select_n3A_32 = arith.select %lt3A_31, %slice3A_30, %select_n3A : vector<2304x128xi1>, vector<2304x128xf32>
    %add3A_33 = arith.constant 256 : i32
    %add3A_34 = vector.broadcast %add3A_33 : i32 to vector<2304x128xi32>
    %add3A_35 = arith.addi %iota3A, %add3A_34 : vector<2304x128xi32>
    %select_n3A_36 = arith.select %lt3A_31, %add3A_35, %select_n3A_29 : vector<2304x128xi1>, vector<2304x128xi32>
    %slice3A_37 = vector.extract_strided_slice %add3A_24 {offsets = [0, 384], sizes = [2304, 128], strides = [1, 1]} : vector<2304x512xf32> to vector<2304x128xf32>
    %lt3A_38 = arith.cmpf olt, %slice3A_37, %select_n3A_32 : vector<2304x128xf32>
    %select_n3A_39 = arith.select %lt3A_38, %slice3A_37, %select_n3A_32 : vector<2304x128xi1>, vector<2304x128xf32>
    %add3A_40 = arith.constant 384 : i32
    %add3A_41 = vector.broadcast %add3A_40 : i32 to vector<2304x128xi32>
    %add3A_42 = arith.addi %iota3A, %add3A_41 : vector<2304x128xi32>
    %select_n3A_43 = arith.select %lt3A_38, %add3A_42, %select_n3A_36 : vector<2304x128xi1>, vector<2304x128xi32>
    %get3A_44 = arith.constant 512 : index
    %get3A_45 = arith.constant 0 : index
    %get3A_46 = vector.load %arg2[%get3A_44, %get3A_45] : memref<1024x256xf32, #tpu.memory_space<vmem>>, vector<512x256xf32>
    %dot_general3A_47 = arith.constant dense<0.000000e+00> : vector<2304x512xf32>
    %dot_general3A_48 = tpu.matmul %mul3A_14, %get3A_46, %dot_general3A_47 {dimension_numbers = #tpu.dot_dimension_numbers<[1], [1], [0], [0], [0, 0, 1, 0], [], []>, transpose_lhs_hint = false} : vector<2304x256xf32>, vector<512x256xf32>, vector<2304x512xf32> -> vector<2304x512xf32>
    %get3A_49 = arith.constant 0 : index
    %get3A_50 = arith.constant 512 : index
    %get3A_51 = vector.load %arg5[%get3A_49, %get3A_50] : memref<1x1024xf32, #tpu.memory_space<vmem>>, vector<1x512xf32>
    %add3A_52 = vector.broadcast %broadcast_in_dim3A_11 : vector<2304x1xf32> to vector<2304x512xf32>
    %add3A_53 = vector.broadcast %get3A_51 : vector<1x512xf32> to vector<2304x512xf32>
    %add3A_54 = arith.addf %add3A_52, %add3A_53 : vector<2304x512xf32>
    %add3A_55 = arith.addf %add3A_54, %dot_general3A_48 : vector<2304x512xf32>
    %slice3A_56 = vector.extract_strided_slice %add3A_55 {offsets = [0, 0], sizes = [2304, 128], strides = [1, 1]} : vector<2304x512xf32> to vector<2304x128xf32>
    %lt3A_57 = arith.cmpf olt, %slice3A_56, %select_n3A_39 : vector<2304x128xf32>
    %select_n3A_58 = arith.select %lt3A_57, %slice3A_56, %select_n3A_39 : vector<2304x128xi1>, vector<2304x128xf32>
    %add3A_59 = arith.constant 512 : i32
    %add3A_60 = vector.broadcast %add3A_59 : i32 to vector<2304x128xi32>
    %add3A_61 = arith.addi %iota3A, %add3A_60 : vector<2304x128xi32>
    %select_n3A_62 = arith.select %lt3A_57, %add3A_61, %select_n3A_43 : vector<2304x128xi1>, vector<2304x128xi32>
    %slice3A_63 = vector.extract_strided_slice %add3A_55 {offsets = [0, 128], sizes = [2304, 128], strides = [1, 1]} : vector<2304x512xf32> to vector<2304x128xf32>
    %lt3A_64 = arith.cmpf olt, %slice3A_63, %select_n3A_58 : vector<2304x128xf32>
    %select_n3A_65 = arith.select %lt3A_64, %slice3A_63, %select_n3A_58 : vector<2304x128xi1>, vector<2304x128xf32>
    %add3A_66 = arith.constant 640 : i32
    %add3A_67 = vector.broadcast %add3A_66 : i32 to vector<2304x128xi32>
    %add3A_68 = arith.addi %iota3A, %add3A_67 : vector<2304x128xi32>
    %select_n3A_69 = arith.select %lt3A_64, %add3A_68, %select_n3A_62 : vector<2304x128xi1>, vector<2304x128xi32>
    %slice3A_70 = vector.extract_strided_slice %add3A_55 {offsets = [0, 256], sizes = [2304, 128], strides = [1, 1]} : vector<2304x512xf32> to vector<2304x128xf32>
    %lt3A_71 = arith.cmpf olt, %slice3A_70, %select_n3A_65 : vector<2304x128xf32>
    %select_n3A_72 = arith.select %lt3A_71, %slice3A_70, %select_n3A_65 : vector<2304x128xi1>, vector<2304x128xf32>
    %add3A_73 = arith.constant 768 : i32
    %add3A_74 = vector.broadcast %add3A_73 : i32 to vector<2304x128xi32>
    %add3A_75 = arith.addi %iota3A, %add3A_74 : vector<2304x128xi32>
    %select_n3A_76 = arith.select %lt3A_71, %add3A_75, %select_n3A_69 : vector<2304x128xi1>, vector<2304x128xi32>
    %slice3A_77 = vector.extract_strided_slice %add3A_55 {offsets = [0, 384], sizes = [2304, 128], strides = [1, 1]} : vector<2304x512xf32> to vector<2304x128xf32>
    %lt3A_78 = arith.cmpf olt, %slice3A_77, %select_n3A_72 : vector<2304x128xf32>
    %select_n3A_79 = arith.select %lt3A_78, %slice3A_77, %select_n3A_72 : vector<2304x128xi1>, vector<2304x128xf32>
    %add3A_80 = arith.constant 896 : i32
    %add3A_81 = vector.broadcast %add3A_80 : i32 to vector<2304x128xi32>
    %add3A_82 = arith.addi %iota3A, %add3A_81 : vector<2304x128xi32>
    %select_n3A_83 = arith.select %lt3A_78, %add3A_82, %select_n3A_76 : vector<2304x128xi1>, vector<2304x128xi32>
    %reduce_min3A = arith.constant dense<0x7F800000> : vector<2304xf32>
    %reduce_min3A_84 = vector.multi_reduction <minimumf>, %select_n3A_79, %reduce_min3A [1] : vector<2304x128xf32> to vector<2304xf32>
    %broadcast_in_dim3A_85 = vector.shape_cast %reduce_min3A_84 : vector<2304xf32> to vector<2304x1xf32>
    %eq3A_86 = vector.broadcast %broadcast_in_dim3A_85 : vector<2304x1xf32> to vector<2304x128xf32>
    %eq3A_87 = arith.cmpf oeq, %select_n3A_79, %eq3A_86 : vector<2304x128xf32>
    %jit3A = arith.constant 1024 : i32
    %broadcast_in_dim3A_88 = vector.broadcast %jit3A : i32 to vector<2304x128xi32>
    %select_n3A_89 = arith.select %eq3A_87, %select_n3A_83, %broadcast_in_dim3A_88 : vector<2304x128xi1>, vector<2304x128xi32>
    %reduce_min3A_90 = arith.constant dense<2147483647> : vector<2304xi32>
    %reduce_min3A_91 = vector.multi_reduction <minsi>, %select_n3A_89, %reduce_min3A_90 [1] : vector<2304x128xi32> to vector<2304xi32>
    %swap3A = arith.constant 0 : index
    %swap3A_92 = arith.constant 0 : index
    %swap3A_93 = arith.constant 0 : index
    %swap3A_94 = vector.load %arg3[%swap3A, %swap3A_92, %swap3A_93] : memref<1x1x2304xi32, #tpu.memory_space<vmem>>, vector<1x1x2304xi32>
    %swap3A_95 = vector.shape_cast %swap3A_94 : vector<1x1x2304xi32> to vector<2304xi32>
    %swap3A_96 = vector.shape_cast %reduce_min3A_91 : vector<2304xi32> to vector<1x1x2304xi32>
    tpu.vector_store %arg3[%swap3A, %swap3A_92, %swap3A_93], %swap3A_96 {strides = array<i32>} : memref<1x1x2304xi32, #tpu.memory_space<vmem>>, vector<1x1x2304xi32>,
    %get3A_97 = arith.constant 0 : index
    %get3A_98 = arith.constant 0 : index
    %get3A_99 = vector.load %arg4[%get3A_97, %get3A_98] : memref<1x1xf32, #tpu.memory_space<vmem>>, vector<1x1xf32>
    %reduce_sum3A_100 = vector.shape_cast %broadcast_in_dim3A_85 : vector<2304x1xf32> to vector<1x2304x1xf32>
    %reduce_sum3A_101 = arith.constant dense<0.000000e+00> : vector<1xf32>
    %reduce_sum3A_102 = vector.multi_reduction <add>, %reduce_sum3A_100, %reduce_sum3A_101 [1, 2] : vector<1x2304x1xf32> to vector<1xf32>
    %reduce_sum3A_103 = vector.shape_cast %reduce_sum3A_102 : vector<1xf32> to vector<1x1x1xf32>
    %reduce_sum3A_104 = vector.extract %reduce_sum3A_103[0, 0, 0] : f32 from vector<1x1x1xf32>
    %reshape3A = vector.broadcast %reduce_sum3A_104 : f32 to vector<1x1xf32>
    %add3A_105 = arith.addf %get3A_99, %reshape3A : vector<1x1xf32>
    %swap3A_106 = arith.constant 0 : index
    %swap3A_107 = arith.constant 0 : index
    %swap3A_108 = vector.load %arg4[%swap3A_106, %swap3A_107] : memref<1x1xf32, #tpu.memory_space<vmem>>, vector<1x1xf32>
    tpu.vector_store %arg4[%swap3A_106, %swap3A_107], %add3A_105 {strides = array<i32>} : memref<1x1xf32, #tpu.memory_space<vmem>>, vector<1x1xf32>,
    return
  }
  func.func @transform_0(%arg0: i32) -> (i32, i32) {
    %c0_i32 = arith.constant 0 : i32
    %c0_i32_0 = arith.constant 0 : i32
    return %arg0, %c0_i32 : i32, i32
  }
  func.func @transform_1(%arg0: i32) -> (i32, i32) {
    %c0_i32 = arith.constant 0 : i32
    %c0_i32_0 = arith.constant 0 : i32
    %c0_i32_1 = arith.constant 0 : i32
    return %c0_i32, %c0_i32_0 : i32, i32
  }
  func.func @transform_2(%arg0: i32) -> (i32, i32, i32) {
    %c0_i32 = arith.constant 0 : i32
    %c0_i32_0 = arith.constant 0 : i32
    %c0_i32_1 = arith.constant 0 : i32
    return %arg0, %c0_i32, %c0_i32_0 : i32, i32, i32
  }
  func.func @transform_3(%arg0: i32) -> (i32, i32) {
    %c0_i32 = arith.constant 0 : i32
    %c0_i32_0 = arith.constant 0 : i32
    %c0_i32_1 = arith.constant 0 : i32
    return %c0_i32, %c0_i32_0 : i32, i32
  }
}

</mosaic_0001>

<sc_bundles>
// kernel: kernel.4.cloned.1.call-start
scs
__scs_entry_jumppad:
0x0: {  	(pc) =	sbr.rel $0x88, $3  }
0x1: {  	(tag) =	ssettag $0x0;
	lr =	simm.s32 $0x1  }
0x2: {  	[smem:$0x3F9F] =	sst lr;
	_ =	strace $0xD0000000  }
0x3: {  	_ = 	snop  }
0x4: {  	_ = 	snop  }
0x5: {  	_ = 	snop  }
0x6: {  	_ = 	snop  }
0x7: {  	_ = 	snop  }
__scs_overlays_trampoline_lowered:
0x8: {  	[smem:$0x3FAE] =	sst s0  }
0x9: {  	[smem:$0x3FAF] =	sst s1  }
0xa: {  	[smem:$0x3FB0] =	sst s2  }
0xb: {  	[smem:$0x3FB1] =	sst s3  }
0xc: {  	[smem:$0x3FB2] =	sst s4  }
0xd: {  	[smem:$0x3FB3] =	sst s5  }
0xe: {  	[smem:$0x3FB4] =	sst s6  }
0xf: {  	[smem:$0x3FB5] =	sst s7  }
0x10: {  	[smem:$0x3FB6] =	sst s8  }
0x11: {  	[smem:$0x3FB7] =	sst s9;
	s0 =	simm.s32 @!p0 $0x0  }
0x12: {  	s1 =	sld [smem:$0x3F9D];
	s0 =	simm.s32 @p0 $0x1  }
0x13: {  	[smem:$0x3FB8] =	sst s0;
	s0 =	simm.s32 @!p1 $0x0  }
0x14: {  	s2 =	sld [smem:$0x3F9C];
	s0 =	simm.s32 @p1 $0x1  }
0x15: {  	[smem:$0x3FB9] =	sst s0;
	s0 =	simm.s32 @!p2 $0x0  }
0x16: {  	s3 =	sld [smem:$0x3FDB];
	s0 =	simm.s32 @p2 $0x1  }
0x17: {  	s4 =	simm.s32 $0x1BF5;
	[smem:$0x3FBB] =	sst s0  }
0x18: {  	s0 =	sld [smem:$0x3F9E];
	_ =	swait.ge [sflag:s4], $0x0  }
0x19: {  	s7 =	sld [smem:$0x3F9F]  }
0x1a: {  	s8 =	sadd.s32 $0xFFFFE003, lr  }
0x1b: {  	s9 =	sadd.s32 $0xFFFFFEF7, lr;
	s5 =	simm.s32 $0xFFFFFFFF;
	p2 =	slt.u32 s8, $0xFFFFF086  }
0x1c: {  	p1 =	slt.u32 s9, $0xF7A;
	s5 =	simm.s32 @!p2 $0x0  }
0x1d: {  	s5 =	simm.s32 @p1 $0x1;
	p0 =	seq.s32 s7, s2  }
0x1e: {  	s7 =	smul.u32 @!p0 $0xF7A, s2;
	p2 =	seq.s32 @!p0 s5, $0x0  }
0x1f: {  	s9 =	smul.u32 $0xF7A, s1;
	s8 =	simm.s32 @!p0 $0x1BF5;
	p2 =	por !p2, p0  }
0x20: {  	[sflag:s8] =	ssyncset.s32 @!p0 $0xFFFFF086;
	s6 =	sadd.s32 @!p0 s3, s7;
	s7 =	simm.s32 @!p0 $0x108  }
0x21: {  	s3 =	sadd.s32 s3, s9;
	s6 =	sadd.s32 @!p0 $0x88, s6;
	s7 =	simm.s32 @p2 $0x1082  }
0x22: {  	[simem:s7], [sflag:s8] =	dma.local @!p0 [hbm:s6], $0xF7A  }
0x23: {  	s9 =	sor.u32 $0xD0000000, s2;
	s6 =	simm.s32 $0x108;
	_ =	swait.ge @!p0 [sflag:s8], $0x0  }
0x24: {  	s3 =	sadd.s32 $0x88, s3;
	s6 =	simm.s32 @!p1 $0x1082;
	[sflag:s4] =	ssyncset.s32 $0xFFFFF086  }
0x25: {  	[simem:s6], [sflag:s4] =	dma.local [hbm:s3], $0xF7A  }
0x26: {  	[smem:$0x3F9F] =	sst s1;
	(tag) =	ssettag s2;
	_ =	strace s9  }
0x27: {  	s1 =	sld [smem:$0x3FAF]  }
0x28: {  	s2 =	sld [smem:$0x3FB0]  }
0x29: {  	s4 =	sld [smem:$0x3FB2]  }
0x2a: {  	p0 =	seq.s32 s5, $0x0;
	s5 =	sld [smem:$0x3FB3]  }
0x2b: {  	s6 =	sld [smem:$0x3FB4]  }
0x2c: {  	s7 =	sld [smem:$0x3FB5]  }
0x2d: {  	s3 =	simm.s32 $0x108;
	s8 =	sld [smem:$0x3FB6]  }
0x2e: {  	s3 =	simm.s32 @!p0 $0x1082;
	s9 =	sld [smem:$0x3FB7]  }
0x2f: {  	lr =	sadd.s32 s0, s3;
	s0 =	sld [smem:$0x3FAE]  }
0x30: {  	s3 =	sld [smem:$0x3FB1]  }
0x31: {  	[smem:$0x3FBA] =	sst s10  }
0x32: {  	s10 =	sld [smem:$0x3FB8];
	_ =	sdelay $0x3  }
0x33: {  	p0 =	seq.s32 s10, $0x1;
	s10 =	sld [smem:$0x3FBA];
	_ =	sdelay $0x3  }
0x34: {  	[smem:$0x3FBA] =	sst s10  }
0x35: {  	s10 =	sld [smem:$0x3FB9];
	_ =	sdelay $0x3  }
0x36: {  	p1 =	seq.s32 s10, $0x1;
	s10 =	sld [smem:$0x3FBA];
	_ =	sdelay $0x3  }
0x37: {  	[smem:$0x3FBA] =	sst s10  }
0x38: {  	s10 =	sld [smem:$0x3FBB]  }
0x39: {  	_ = 	snop;
	(pc) =	sbr.ind lr, $3  }
0x3a: {  	_ = 	snop  }
0x3b: {  	_ = 	snop  }
0x3c: {  	p2 =	seq.s32 s10, $0x1;
	s10 =	sld [smem:$0x3FBA]  }
0x3d: {  	_ =	shalt  }
0x3e: {  	_ =	shalt  }
0x3f: {  	_ =	shalt  }
0x40: {  	_ =	shalt  }
0x41: {  	_ =	shalt  }
0x42: {  	_ =	shalt  }
0x43: {  	_ =	shalt  }
0x44: {  	_ =	shalt  }
0x45: {  	_ =	shalt  }
0x46: {  	_ =	shalt  }
0x47: {  	_ =	shalt  }
0x48: {  	_ =	shalt  }
0x49: {  	_ =	shalt  }
0x4a: {  	_ =	shalt  }
0x4b: {  	_ =	shalt  }
0x4c: {  	_ =	shalt  }
0x4d: {  	_ =	shalt  }
0x4e: {  	_ =	shalt  }
0x4f: {  	_ =	shalt  }
0x50: {  	_ =	shalt  }
0x51: {  	_ =	shalt  }
0x52: {  	_ =	shalt  }
0x53: {  	_ =	shalt  }
0x54: {  	_ =	shalt  }
0x55: {  	_ =	shalt  }
0x56: {  	_ =	shalt  }
0x57: {  	_ =	shalt  }
0x58: {  	_ =	shalt  }
0x59: {  	_ =	shalt  }
0x5a: {  	_ =	shalt  }
0x5b: {  	_ =	shalt  }
0x5c: {  	_ =	shalt  }
0x5d: {  	_ =	shalt  }
0x5e: {  	_ =	shalt  }
0x5f: {  	_ =	shalt  }
0x60: {  	_ =	shalt  }
0x61: {  	_ =	shalt  }
0x62: {  	_ =	shalt  }
0x63: {  	_ =	shalt  }
0x64: {  	_ =	shalt  }
0x65: {  	_ =	shalt  }
0x66: {  	_ =	shalt  }
0x67: {  	_ =	shalt  }
0x68: {  	_ =	shalt  }
0x69: {  	_ =	shalt  }
0x6a: {  	_ =	shalt  }
0x6b: {  	_ =	shalt  }
0x6c: {  	_ =	shalt  }
0x6d: {  	_ =	shalt  }
0x6e: {  	_ =	shalt  }
0x6f: {  	_ =	shalt  }
0x70: {  	_ =	shalt  }
0x71: {  	_ =	shalt  }
0x72: {  	_ =	shalt  }
0x73: {  	_ =	shalt  }
0x74: {  	_ =	shalt  }
0x75: {  	_ =	shalt  }
0x76: {  	_ =	shalt  }
0x77: {  	_ =	shalt  }
0x78: {  	_ =	shalt  }
0x79: {  	_ =	shalt  }
0x7a: {  	_ =	shalt  }
0x7b: {  	_ =	shalt  }
0x7c: {  	_ =	shalt  }
0x7d: {  	_ =	shalt  }
0x7e: {  	_ =	shalt  }
0x7f: {  	_ =	shalt  }
0x80: {  	_ =	shalt  }
0x81: {  	_ =	shalt  }
0x82: {  	_ =	shalt  }
0x83: {  	_ =	shalt  }
0x84: {  	_ =	shalt  }
0x85: {  	_ =	shalt  }
0x86: {  	_ =	shalt  }
0x87: {  	_ =	shalt  }
.Lfunc_end0:
.L_simem_size_0:
called_computation_lowered:
.L_overlay_start_0:
0x88: {  	s2 =	sld [smem:$0x3FD9]  }
0x89: {  	s3 =	sld [smem:$0x3FFE];
	_ =	sdelay $0x1  }
0x8a: {  	s1 =	srdreg.scid  }
0x8b: {  	s0 =	sand.u32 $0x1, s1  }
0x8c: {  	s14 =	sshll.u32 s0, $0xA;
	s2 =	sadd.s32 s3, s2  }
0x8d: {  	s2 =	sadd.s32 s2, s14  }
0x8e: {  	[smem:$0x3FC6] =	sst s2  }
0x8f: {  	_ = 	snop  }
0x90: {  	s2 =	sld [smem:$0x3FD0];
	_ =	sdelay $0x2  }
0x91: {  	s4 =	simm.s32 $0xA;
	s5 =	simm.s32 $0x10;
	s15 =	sld [smem:$0x3FC8]  }
0x92: {  	[smem:s5], [sflag:s4] =	dma.local [hbm:s2], $0x1  }
0x93: {  	_ =	swait.eq [sflag:s4], $0x1  }
0x94: {  	[sflag:s4] =	ssyncset.done $0x0  }
0x95: {  	[sflag:s4] =	ssyncadd.s32 $0xFFFFFFFF  }
0x96: {  	s16 =	sld [smem:$0x10];
	(tm) =	ssettm $0x1  }
0x97: {  	s17 =	sld [smem:$0x3FFB];
	_ =	sdelay $0x3  }
0x98: {  	_ =	strace s17  }
0x99: {  	s4 =	sld [smem:$0x3FFC];
	_ =	sdelay $0x3  }
0x9a: {  	_ =	strace s4  }
0x9b: {  	s4 =	sld [smem:$0x3FFD];
	_ =	sdelay $0x3  }
0x9c: {  	_ =	strace s4  }
0x9d: {  	_ =	strace $0x8FFFFFFF  }
0x9e: {  	s18 =	sld [smem:$0x3FDB];
	_ =	sdelay $0x1  }
0x9f: {  	s19 =	simm.s32 $_scs_section_size  }
0xa0: {  	s6 =	simm.s32 $_size__tile_overlayer_lowered;
	s7 =	simm.s32 $_tile_overlayer_lowered  }
0xa1: {  	s22 =	simm.s32 $0x1BFF;
	s21 =	sshll.u32 s7, $0x1;
	s4 =	sadd.s32 s19, s18  }
0xa2: {  	s8 =	simm.s32 $0x0;
	s20 =	sshll.u32 s6, $0x1;
	s6 =	sadd.s32 s21, s4  }
0xa3: {  	[timem:s8], [sflag:s22] =	dma.local [hbm:s6], s20  }
0xa4: {  	_ =	swait.ge [sflag:s22], s20  }
0xa5: {  	s5 =	ssub.s32 $0x0, s20;
	[sflag:s22] =	ssyncset.done $0x0  }
0xa6: {  	[sflag:s22] =	ssyncadd.s32 s5;
	_ =	sdelay $0x1  }
0xa7: {  	s23 =	simm.s32 $0x1B8B  }
0xa8: {  	_ =	swait.ge [sflag:s23], $0x1  }
0xa9: {  	[sflag:s23] =	ssyncset.done $0x0  }
0xaa: {  	s25 =	simm.s32 $0x1B8E;
	s24 =	sld [smem:$0x3FFE];
	[sflag:s23] =	ssyncadd.s32 $0xFFFFFFFF  }
0xab: {  	s26 =	simm.s32 $execute0_lowered;
	[smem:$0x3FD2] =	sst s25  }
0xac: {  	s6 =	sshll.u32 s26, $0x1;
	_ =	strace $0x80000046;
	[dreg:$0x1] =	wrdreg $0xFFFFFFFF  }
0xad: {  	s28 =	simm.s32 $_size_execute0_lowered;
	s4 =	sadd.s32 s4, s6;
	[dreg:$0x0] =	wrdreg $0x0  }
0xae: {  	s6 =	sshll.u32 s28, $0x1;
	[dreg:$0x2] =	wrdreg s4  }
0xaf: {  	[dreg:$0x3] =	wrdreg s6  }
0xb0: {  	[dreg:$0x4] =	wrdreg $0xC0  }
0xb1: {  	_ =	task [dreg:s8], $0x5FFFF  }
0xb2: {  	[dreg:$0x1] =	wrdreg $0xFFFFFFFF  }
0xb3: {  	[dreg:$0x0] =	wrdreg $0x60  }
0xb4: {  	[dreg:$0x2] =	wrdreg s15  }
0xb5: {  	[dreg:$0x3] =	wrdreg s24  }
0xb6: {  	[dreg:$0x4] =	wrdreg s16  }
0xb7: {  	[dreg:$0x5] =	wrdreg $0x9  }
0xb8: {  	_ =	task.clear_ibuf [dreg:s8], $0x6FFFF;
	_ =	strace $0x90000046  }
0xb9: {  	s29 =	simm.s32 $0x9;
	_ =	strace $0x80000048  }
0xba: {  	_ =	swait.ge [sflag:s29], $0x1  }
0xbb: {  	[sflag:s29] =	ssyncadd.s32 $0xFFFFFFFF  }
0xbc: {  	_ =	strace $0x90000048  }
0xbd: {  	_ =	sfence  }
0xbe: {  	s30 =	sld [smem:$0x0];
	_ =	sdelay $0x2  }
0xbf: {  	s31 =	sshll.u32 s1, $0xD;
	s1 =	sshrl.u32 s1, $0x2  }
0xc0: {  	s3 =	sand.u32 $0x4000, s31;
	s1 =	sadd.s32 s1, s30  }
0xc1: {  	s0 =	sor.u32 s3, s0;
	s1 =	sshll.u32 s1, $0x11  }
0xc2: {  	s0 =	sor.u32 s1, s0  }
0xc3: {  	s0 =	sadd.s32 $0x8F2B, s0  }
0xc4: {  	[sflag:s0] =	ssyncadd.remote.s32 $0x1  }
0xc5: {  	_ =	sfence.sel $0xFFFF  }
0xc6: {  	[dreg:$0x0] =	wrdreg $0xFFFFFFFF;
	(pc) =	sbr.abs _section_cstart, $3  }
0xc7: {  	[dreg:$0x1] =	wrdreg $0xFFFFFFFF  }
0xc8: {  	_ =	task.clear_ibuf [dreg:s8], $0x2FFFF;
	_ =	strace $0x9FFFFFFF  }
0xc9: {  	(tm) =	ssettm $0x7FFFFFFF  }
tec
execute0_lowered:
.L_overlay_start_1:
0x0: {  	(tag) =	ssettag $0x1  }
0x1: {  	s1 =	rddreg [dreg:$0x0]  }
0x2: {  	s2 =	rddreg [dreg:$0x1];
	s3 =	srdreg.scid  }
0x3: {  	s4 =	rddreg [dreg:$0x2];
	s5 =	sand.u32 $0x1, s3;
	s3 =	simm.s32 $0x0  }
0x4: {  	s11 =	simm.s32 $0xA00;
	[smem:$0x7FF] =	sst s3  }
0x5: {  	s12 =	simm.s32 $0x1200;
	_ =	strace $0x80000047;
	[dreg:$0x8] =	wrdreg s11  }
0x6: {  	s13 =	simm.s32 $0x1A00;
	[dreg:$0x9] =	wrdreg s12  }
0x7: {  	s14 =	simm.s32 $0x2200;
	[dreg:$0xa] =	wrdreg s13  }
0x8: {  	s15 =	simm.s32 $0x2A00;
	[dreg:$0xb] =	wrdreg s14  }
0x9: {  	s0 =	stileid.u32;
	s16 =	simm.s32 $0x3200;
	[dreg:$0xc] =	wrdreg s15  }
0xa: {  	s17 =	simm.s32 $0x3A00;
	s18 =	simm.s32 $0x4200;
	[dreg:$0xd] =	wrdreg s16  }
0xb: {  	s19 =	simm.s32 $0x4A00;
	s20 =	simm.s32 $0x5200;
	[dreg:$0xe] =	wrdreg s17  }
0xc: {  	s22 =	simm.s32 $0x5A00;
	s23 =	simm.s32 $0x6200;
	[dreg:$0xf] =	wrdreg s18  }
0xd: {  	s24 =	simm.s32 $0x6A00;
	s25 =	simm.s32 $0x7200;
	[dreg:$0x10] =	wrdreg s19  }
0xe: {  	s26 =	simm.s32 $0x7A00;
	s28 =	simm.s32 $0x11A00;
	[dreg:$0x11] =	wrdreg s20  }
0xf: {  	s29 =	simm.s32 $0x1;
	s30 =	simm.s32 $0x2;
	[dreg:$0x12] =	wrdreg s22  }
0x10: {  	s31 =	simm.s32 $0x3;
	s6 =	sshll.u32 s0, $0x1;
	[dreg:$0x13] =	wrdreg s23  }
0x11: {  	s2 =	sadd.s32 $0xA00, s2;
	s6 =	sor.u32 s5, s6;
	[dreg:$0x14] =	wrdreg s24  }
0x12: {  	s21 =	ssub.s32 $0x2, s5;
	s7 =	smul.u32 $0x120, s6;
	[dreg:$0x15] =	wrdreg s25  }
0x13: {  	s6 =	smul.u32 $0x2400, s6;
	s5 =	sshrl.u32 s21, $0x1;
	[dreg:$0x16] =	wrdreg s26  }
0x14: {  	s11 =	simm.s32 $0x9A00;
	s12 =	simm.s32 $0xA200;
	s13 =	simm.s32 $0xAA00  }
0x15: {  	s14 =	simm.s32 $0xB200;
	s15 =	simm.s32 $0xBA00;
	s16 =	simm.s32 $0xC200  }
0x16: {  	s17 =	simm.s32 $0xCA00;
	s18 =	simm.s32 $0xD200;
	s19 =	simm.s32 $0xDA00  }
0x17: {  	s20 =	simm.s32 $0xE200;
	s22 =	simm.s32 $0xF200;
	s23 =	simm.s32 $0xFA00  }
0x18: {  	s24 =	simm.s32 $0x10200;
	s8 =	sshrl.u32 s7, $0x3;
	s7 =	sadd.s32 $0x90, s7  }
0x19: {  	s25 =	simm.s32 $0x10A00;
	s8 =	sadd.s32 s2, s8;
	s9 =	sshrl.u32 s7, $0x3  }
0x1a: {  	s26 =	simm.s32 $0x11200;
	[dreg:$0x4] =	wrdreg s8;
	s2 =	sadd.s32 s2, s9  }
0x1b: {  	s8 =	sadd.s32 s4, s6;
	s9 =	sshll.u32 s7, $0x5;
	[dreg:$0x5] =	wrdreg s2  }
0x1c: {  	s6 =	simm.s32 $0x200;
	[dreg:$0x6] =	wrdreg s8;
	s10 =	sadd.s32 s4, s9  }
0x1d: {  	v2 =	vlaneseq.u32;
	s4 =	ssub.s32 s21, s5;
	s5 =	simm.s32 $0x5;
	s8 =	simm.s32 $0x8A00  }
0x1e: {  	vm0 =	vmmov $0xffff;
	v1 =	vshrl.u32 v2, $0x3;
	s9 =	simm.s32 $0x100;
	s21 =	simm.s32 $0xEA00;
	s2 =	simm.s32 $0x4  }
0x1f: {  	v0 =	vand.u32 $0x7, v2;
	v2 =	vor.u32 $0x8, v2;
	v1 =	vmul.u32 $0x8, v1;
	[dreg:$0x7] =	wrdreg s10;
	s4 =	smax.u32 s4, $0x1;
	s10 =	simm.s32 $0x9200  }
.LBB2_1:
0x20: {  	s0 =	rddreg [dreg:$0x4]  }
0x21: {  	[tilespmem:s3], [sflag:$0x5] =	stream.linear.gather [hbm4b:s0+s3], $0x90, $0x38;
	[tilespmem:$0x12200] =	vst v63  }
0x22: {  	_ =	swait.ge [sflag:s5], $0x90  }
0x23: {  	[sflag:s5] =	ssyncset.done $0x0  }
0x24: {  	[sflag:s5] =	ssyncadd.s32 $0xFFFFFF70  }
0x25: {  	v3 =	vld [tilespmem:$0x0];
	_ =	sdelay $0x4  }
0x26: {  	v4 =	vshll.u32 v3, $0x1  }
0x27: {  	v3 =	vand.u32 $0x7, v3;
	v4 =	vand.u32 $0xFFFFFFF0, v4  }
0x28: {  	v3 =	vor.u32 v3, v4  }
0x29: {  	v4 =	vperm.xlane v3, v0;
	_ =	sdelay $0x1  }
0x2a: {  	v3 =	vperm.xlane v3, v2;
	v4 =	vadd.s32 v1, v4;
	_ =	sdelay $0x1  }
0x2b: {  	v3 =	vadd.s32 v1, v3;
	_ =	sdelay $0x2  }
0x2c: {  	[tilespmem:s6], [sflag:$0x1] =	stream.indirect_vreg.gather [hbm4b:s1+s3], $0x80, v4, vm0, $0xb8;
	[tilespmem:$0x12200] =	vst v63  }
0x2d: {  	s7 =	rddreg [dreg:$0x8]  }
0x2e: {  	[tilespmem:s7], [sflag:$0x1] =	stream.indirect_vreg.gather [hbm4b:s1+s3], $0x80, v3, vm0, $0xb8;
	[tilespmem:$0x12200] =	vst v63  }
0x2f: {  	v3 =	vld [tilespmem:$0x10];
	_ =	sdelay $0x4  }
0x30: {  	v47 =	vshll.u32 v3, $0x1  }
0x31: {  	v3 =	vand.u32 $0x7, v3;
	v4 =	vand.u32 $0xFFFFFFF0, v47  }
0x32: {  	v3 =	vor.u32 v3, v4  }
0x33: {  	v4 =	vperm.xlane v3, v0;
	_ =	sdelay $0x1  }
0x34: {  	v3 =	vperm.xlane v3, v2;
	v4 =	vadd.s32 v1, v4;
	_ =	sdelay $0x1  }
0x35: {  	v3 =	vadd.s32 v1, v3;
	_ =	sdelay $0x1  }
0x36: {  	s0 =	rddreg [dreg:$0x9]  }
0x37: {  	[tilespmem:s0], [sflag:$0x1] =	stream.indirect_vreg.gather [hbm4b:s1+s3], $0x80, v4, vm0, $0xb8;
	[tilespmem:$0x12200] =	vst v63  }
0x38: {  	s7 =	rddreg [dreg:$0xa]  }
0x39: {  	[tilespmem:s7], [sflag:$0x1] =	stream.indirect_vreg.gather [hbm4b:s1+s3], $0x80, v3, vm0, $0xb8;
	[tilespmem:$0x12200] =	vst v63  }
0x3a: {  	v3 =	vld [tilespmem:$0x20];
	_ =	sdelay $0x4  }
0x3b: {  	v48 =	vshll.u32 v3, $0x1  }
0x3c: {  	v3 =	vand.u32 $0x7, v3;
	v4 =	vand.u32 $0xFFFFFFF0, v48  }
0x3d: {  	v3 =	vor.u32 v3, v4  }
0x3e: {  	v4 =	vperm.xlane v3, v0;
	_ =	sdelay $0x1  }
0x3f: {  	v3 =	vperm.xlane v3, v2;
	v4 =	vadd.s32 v1, v4;
	_ =	sdelay $0x1  }
0x40: {  	v3 =	vadd.s32 v1, v3;
	_ =	sdelay $0x1  }
0x41: {  	s0 =	rddreg [dreg:$0xb]  }
0x42: {  	[tilespmem:s0], [sflag:$0x1] =	stream.indirect_vreg.gather [hbm4b:s1+s3], $0x80, v4, vm0, $0xb8;
	[tilespmem:$0x12200] =	vst v63  }
0x43: {  	s7 =	rddreg [dreg:$0xc]  }
0x44: {  	[tilespmem:s7], [sflag:$0x1] =	stream.indirect_vreg.gather [hbm4b:s1+s3], $0x80, v3, vm0, $0xb8;
	[tilespmem:$0x12200] =	vst v63  }
0x45: {  	v3 =	vld [tilespmem:$0x30];
	_ =	sdelay $0x4  }
0x46: {  	v49 =	vshll.u32 v3, $0x1  }
0x47: {  	v3 =	vand.u32 $0x7, v3;
	v4 =	vand.u32 $0xFFFFFFF0, v49  }
0x48: {  	v3 =	vor.u32 v3, v4  }
0x49: {  	v4 =	vperm.xlane v3, v0;
	_ =	sdelay $0x1  }
0x4a: {  	v3 =	vperm.xlane v3, v2;
	v4 =	vadd.s32 v1, v4;
	_ =	sdelay $0x1  }
0x4b: {  	v3 =	vadd.s32 v1, v3;
	_ =	sdelay $0x1  }
0x4c: {  	s0 =	rddreg [dreg:$0xd]  }
0x4d: {  	[tilespmem:s0], [sflag:$0x1] =	stream.indirect_vreg.gather [hbm4b:s1+s3], $0x80, v4, vm0, $0xb8;
	[tilespmem:$0x12200] =	vst v63  }
0x4e: {  	s7 =	rddreg [dreg:$0xe]  }
0x4f: {  	[tilespmem:s7], [sflag:$0x1] =	stream.indirect_vreg.gather [hbm4b:s1+s3], $0x80, v3, vm0, $0xb8;
	[tilespmem:$0x12200] =	vst v63  }
0x50: {  	v3 =	vld [tilespmem:$0x40];
	_ =	sdelay $0x4  }
0x51: {  	v50 =	vshll.u32 v3, $0x1  }
0x52: {  	v3 =	vand.u32 $0x7, v3;
	v4 =	vand.u32 $0xFFFFFFF0, v50  }
0x53: {  	v3 =	vor.u32 v3, v4  }
0x54: {  	v4 =	vperm.xlane v3, v0;
	_ =	sdelay $0x1  }
0x55: {  	v3 =	vperm.xlane v3, v2;
	v4 =	vadd.s32 v1, v4;
	_ =	sdelay $0x1  }
0x56: {  	v3 =	vadd.s32 v1, v3;
	_ =	sdelay $0x1  }
0x57: {  	s0 =	rddreg [dreg:$0xf]  }
0x58: {  	[tilespmem:s0], [sflag:$0x1] =	stream.indirect_vreg.gather [hbm4b:s1+s3], $0x80, v4, vm0, $0xb8;
	[tilespmem:$0x12200] =	vst v63  }
0x59: {  	s7 =	rddreg [dreg:$0x10]  }
0x5a: {  	[tilespmem:s7], [sflag:$0x1] =	stream.indirect_vreg.gather [hbm4b:s1+s3], $0x80, v3, vm0, $0xb8;
	[tilespmem:$0x12200] =	vst v63  }
0x5b: {  	v3 =	vld [tilespmem:$0x50];
	_ =	sdelay $0x4  }
0x5c: {  	v51 =	vshll.u32 v3, $0x1  }
0x5d: {  	v3 =	vand.u32 $0x7, v3;
	v4 =	vand.u32 $0xFFFFFFF0, v51  }
0x5e: {  	v3 =	vor.u32 v3, v4  }
0x5f: {  	v4 =	vperm.xlane v3, v0;
	_ =	sdelay $0x1  }
0x60: {  	v3 =	vperm.xlane v3, v2;
	v4 =	vadd.s32 v1, v4;
	_ =	sdelay $0x1  }
0x61: {  	v3 =	vadd.s32 v1, v3;
	_ =	sdelay $0x1  }
0x62: {  	s0 =	rddreg [dreg:$0x11]  }
0x63: {  	[tilespmem:s0], [sflag:$0x1] =	stream.indirect_vreg.gather [hbm4b:s1+s3], $0x80, v4, vm0, $0xb8;
	[tilespmem:$0x12200] =	vst v63  }
0x64: {  	s7 =	rddreg [dreg:$0x12]  }
0x65: {  	[tilespmem:s7], [sflag:$0x1] =	stream.indirect_vreg.gather [hbm4b:s1+s3], $0x80, v3, vm0, $0xb8;
	[tilespmem:$0x12200] =	vst v63  }
0x66: {  	v3 =	vld [tilespmem:$0x60];
	_ =	sdelay $0x4  }
0x67: {  	v52 =	vshll.u32 v3, $0x1  }
0x68: {  	v3 =	vand.u32 $0x7, v3;
	v4 =	vand.u32 $0xFFFFFFF0, v52  }
0x69: {  	v3 =	vor.u32 v3, v4  }
0x6a: {  	v4 =	vperm.xlane v3, v0;
	_ =	sdelay $0x1  }
0x6b: {  	v3 =	vperm.xlane v3, v2;
	v4 =	vadd.s32 v1, v4;
	_ =	sdelay $0x1  }
0x6c: {  	v3 =	vadd.s32 v1, v3;
	_ =	sdelay $0x1  }
0x6d: {  	s0 =	rddreg [dreg:$0x13]  }
0x6e: {  	[tilespmem:s0], [sflag:$0x1] =	stream.indirect_vreg.gather [hbm4b:s1+s3], $0x80, v4, vm0, $0xb8;
	[tilespmem:$0x12200] =	vst v63  }
0x6f: {  	s7 =	rddreg [dreg:$0x14]  }
0x70: {  	[tilespmem:s7], [sflag:$0x1] =	stream.indirect_vreg.gather [hbm4b:s1+s3], $0x80, v3, vm0, $0xb8;
	[tilespmem:$0x12200] =	vst v63  }
0x71: {  	v3 =	vld [tilespmem:$0x70];
	_ =	sdelay $0x4  }
0x72: {  	v53 =	vshll.u32 v3, $0x1  }
0x73: {  	v3 =	vand.u32 $0x7, v3;
	v4 =	vand.u32 $0xFFFFFFF0, v53  }
0x74: {  	v3 =	vor.u32 v3, v4  }
0x75: {  	v4 =	vperm.xlane v3, v0;
	_ =	sdelay $0x1  }
0x76: {  	v3 =	vperm.xlane v3, v2;
	v4 =	vadd.s32 v1, v4;
	_ =	sdelay $0x1  }
0x77: {  	v3 =	vadd.s32 v1, v3;
	_ =	sdelay $0x1  }
0x78: {  	s0 =	rddreg [dreg:$0x15]  }
0x79: {  	[tilespmem:s0], [sflag:$0x1] =	stream.indirect_vreg.gather [hbm4b:s1+s3], $0x80, v4, vm0, $0xb8;
	[tilespmem:$0x12200] =	vst v63  }
0x7a: {  	s7 =	rddreg [dreg:$0x16]  }
0x7b: {  	[tilespmem:s7], [sflag:$0x1] =	stream.indirect_vreg.gather [hbm4b:s1+s3], $0x80, v3, vm0, $0xb8;
	[tilespmem:$0x12200] =	vst v63  }
0x7c: {  	v3 =	vld [tilespmem:$0x80];
	_ =	sdelay $0x4  }
0x7d: {  	v54 =	vshll.u32 v3, $0x1  }
0x7e: {  	v3 =	vand.u32 $0x7, v3;
	v4 =	vand.u32 $0xFFFFFFF0, v54  }
0x7f: {  	v3 =	vor.u32 v3, v4  }
0x80: {  	v4 =	vperm.xlane v3, v0;
	_ =	sdelay $0x1  }
0x81: {  	v3 =	vperm.xlane v3, v2;
	v4 =	vadd.s32 v1, v4;
	_ =	sdelay $0x1  }
0x82: {  	v3 =	vadd.s32 v1, v3;
	_ =	sdelay $0x1  }
0x83: {  	s7 =	simm.s32 $0x8200  }
0x84: {  	[tilespmem:s7], [sflag:$0x1] =	stream.indirect_vreg.gather [hbm4b:s1+s3], $0x80, v4, vm0, $0xb8;
	[tilespmem:$0x12200] =	vst v63  }
0x85: {  	_ = 	snop  }
0x86: {  	[tilespmem:s8], [sflag:$0x1] =	stream.indirect_vreg.gather [hbm4b:s1+s3], $0x80, v3, vm0, $0xb8;
	[tilespmem:$0x12200] =	vst v63  }
0x87: {  	s7 =	rddreg [dreg:$0x5]  }
0x88: {  	[tilespmem:s9], [sflag:$0x5] =	stream.linear.gather [hbm4b:s7+s3], $0x90, $0x38;
	[tilespmem:$0x12200] =	vst v63  }
0x89: {  	_ =	swait.ge [sflag:s5], $0x90  }
0x8a: {  	[sflag:s5] =	ssyncset.done $0x0  }
0x8b: {  	[sflag:s5] =	ssyncadd.s32 $0xFFFFFF70  }
0x8c: {  	v3 =	vld [tilespmem:$0x100];
	_ =	sdelay $0x4  }
0x8d: {  	v55 =	vshll.u32 v3, $0x1  }
0x8e: {  	v3 =	vand.u32 $0x7, v3;
	v4 =	vand.u32 $0xFFFFFFF0, v55  }
0x8f: {  	v3 =	vor.u32 v3, v4  }
0x90: {  	v4 =	vperm.xlane v3, v0;
	_ =	sdelay $0x1  }
0x91: {  	v3 =	vperm.xlane v3, v2;
	v4 =	vadd.s32 v1, v4;
	_ =	sdelay $0x1  }
0x92: {  	v3 =	vadd.s32 v1, v3;
	_ =	sdelay $0x2  }
0x93: {  	[tilespmem:s10], [sflag:$0x2] =	stream.indirect_vreg.gather [hbm4b:s1+s3], $0x80, v4, vm0, $0xb8;
	[tilespmem:$0x12200] =	vst v63  }
0x94: {  	_ = 	snop  }
0x95: {  	[tilespmem:s11], [sflag:$0x2] =	stream.indirect_vreg.gather [hbm4b:s1+s3], $0x80, v3, vm0, $0xb8;
	[tilespmem:$0x12200] =	vst v63  }
0x96: {  	v3 =	vld [tilespmem:$0x110];
	_ =	sdelay $0x4  }
0x97: {  	v56 =	vshll.u32 v3, $0x1  }
0x98: {  	v3 =	vand.u32 $0x7, v3;
	v4 =	vand.u32 $0xFFFFFFF0, v56  }
0x99: {  	v3 =	vor.u32 v3, v4  }
0x9a: {  	v4 =	vperm.xlane v3, v0;
	_ =	sdelay $0x1  }
0x9b: {  	v3 =	vperm.xlane v3, v2;
	v4 =	vadd.s32 v1, v4;
	_ =	sdelay $0x1  }
0x9c: {  	v3 =	vadd.s32 v1, v3;
	_ =	sdelay $0x2  }
0x9d: {  	[tilespmem:s12], [sflag:$0x2] =	stream.indirect_vreg.gather [hbm4b:s1+s3], $0x80, v4, vm0, $0xb8;
	[tilespmem:$0x12200] =	vst v63  }
0x9e: {  	_ = 	snop  }
0x9f: {  	[tilespmem:s13], [sflag:$0x2] =	stream.indirect_vreg.gather [hbm4b:s1+s3], $0x80, v3, vm0, $0xb8;
	[tilespmem:$0x12200] =	vst v63  }
0xa0: {  	v3 =	vld [tilespmem:$0x120];
	_ =	sdelay $0x4  }
0xa1: {  	v57 =	vshll.u32 v3, $0x1  }
0xa2: {  	v3 =	vand.u32 $0x7, v3;
	v4 =	vand.u32 $0xFFFFFFF0, v57  }
0xa3: {  	v3 =	vor.u32 v3, v4  }
0xa4: {  	v4 =	vperm.xlane v3, v0;
	_ =	sdelay $0x1  }
0xa5: {  	v3 =	vperm.xlane v3, v2;
	v4 =	vadd.s32 v1, v4;
	_ =	sdelay $0x1  }
0xa6: {  	v3 =	vadd.s32 v1, v3;
	_ =	sdelay $0x2  }
0xa7: {  	[tilespmem:s14], [sflag:$0x2] =	stream.indirect_vreg.gather [hbm4b:s1+s3], $0x80, v4, vm0, $0xb8;
	[tilespmem:$0x12200] =	vst v63  }
0xa8: {  	_ = 	snop  }
0xa9: {  	[tilespmem:s15], [sflag:$0x2] =	stream.indirect_vreg.gather [hbm4b:s1+s3], $0x80, v3, vm0, $0xb8;
	[tilespmem:$0x12200] =	vst v63  }
0xaa: {  	v3 =	vld [tilespmem:$0x130];
	_ =	sdelay $0x4  }
0xab: {  	v58 =	vshll.u32 v3, $0x1  }
0xac: {  	v3 =	vand.u32 $0x7, v3;
	v4 =	vand.u32 $0xFFFFFFF0, v58  }
0xad: {  	v3 =	vor.u32 v3, v4  }
0xae: {  	v4 =	vperm.xlane v3, v0;
	_ =	sdelay $0x1  }
0xaf: {  	v3 =	vperm.xlane v3, v2;
	v4 =	vadd.s32 v1, v4;
	_ =	sdelay $0x1  }
0xb0: {  	v3 =	vadd.s32 v1, v3;
	_ =	sdelay $0x2  }
0xb1: {  	[tilespmem:s16], [sflag:$0x2] =	stream.indirect_vreg.gather [hbm4b:s1+s3], $0x80, v4, vm0, $0xb8;
	[tilespmem:$0x12200] =	vst v63  }
0xb2: {  	_ = 	snop  }
0xb3: {  	[tilespmem:s17], [sflag:$0x2] =	stream.indirect_vreg.gather [hbm4b:s1+s3], $0x80, v3, vm0, $0xb8;
	[tilespmem:$0x12200] =	vst v63  }
0xb4: {  	v3 =	vld [tilespmem:$0x140];
	_ =	sdelay $0x4  }
0xb5: {  	v59 =	vshll.u32 v3, $0x1  }
0xb6: {  	v3 =	vand.u32 $0x7, v3;
	v4 =	vand.u32 $0xFFFFFFF0, v59  }
0xb7: {  	v3 =	vor.u32 v3, v4  }
0xb8: {  	v4 =	vperm.xlane v3, v0;
	_ =	sdelay $0x1  }
0xb9: {  	v3 =	vperm.xlane v3, v2;
	v4 =	vadd.s32 v1, v4;
	_ =	sdelay $0x1  }
0xba: {  	v3 =	vadd.s32 v1, v3;
	_ =	sdelay $0x2  }
0xbb: {  	[tilespmem:s18], [sflag:$0x2] =	stream.indirect_vreg.gather [hbm4b:s1+s3], $0x80, v4, vm0, $0xb8;
	[tilespmem:$0x12200] =	vst v63  }
0xbc: {  	_ = 	snop  }
0xbd: {  	[tilespmem:s19], [sflag:$0x2] =	stream.indirect_vreg.gather [hbm4b:s1+s3], $0x80, v3, vm0, $0xb8;
	[tilespmem:$0x12200] =	vst v63  }
0xbe: {  	v3 =	vld [tilespmem:$0x150];
	_ =	sdelay $0x4  }
0xbf: {  	v60 =	vshll.u32 v3, $0x1  }
0xc0: {  	v3 =	vand.u32 $0x7, v3;
	v4 =	vand.u32 $0xFFFFFFF0, v60  }
0xc1: {  	v3 =	vor.u32 v3, v4  }
0xc2: {  	v4 =	vperm.xlane v3, v0;
	_ =	sdelay $0x1  }
0xc3: {  	v3 =	vperm.xlane v3, v2;
	v4 =	vadd.s32 v1, v4;
	_ =	sdelay $0x1  }
0xc4: {  	v3 =	vadd.s32 v1, v3;
	_ =	sdelay $0x2  }
0xc5: {  	[tilespmem:s20], [sflag:$0x2] =	stream.indirect_vreg.gather [hbm4b:s1+s3], $0x80, v4, vm0, $0xb8;
	[tilespmem:$0x12200] =	vst v63  }
0xc6: {  	_ = 	snop  }
0xc7: {  	[tilespmem:s21], [sflag:$0x2] =	stream.indirect_vreg.gather [hbm4b:s1+s3], $0x80, v3, vm0, $0xb8;
	[tilespmem:$0x12200] =	vst v63  }
0xc8: {  	v3 =	vld [tilespmem:$0x160];
	_ =	sdelay $0x4  }
0xc9: {  	v61 =	vshll.u32 v3, $0x1  }
0xca: {  	v3 =	vand.u32 $0x7, v3;
	v4 =	vand.u32 $0xFFFFFFF0, v61  }
0xcb: {  	v3 =	vor.u32 v3, v4  }
0xcc: {  	v4 =	vperm.xlane v3, v0;
	_ =	sdelay $0x1  }
0xcd: {  	v3 =	vperm.xlane v3, v2;
	v4 =	vadd.s32 v1, v4;
	_ =	sdelay $0x1  }
0xce: {  	v3 =	vadd.s32 v1, v3;
	_ =	sdelay $0x2  }
0xcf: {  	[tilespmem:s22], [sflag:$0x2] =	stream.indirect_vreg.gather [hbm4b:s1+s3], $0x80, v4, vm0, $0xb8;
	[tilespmem:$0x12200] =	vst v63  }
0xd0: {  	_ = 	snop  }
0xd1: {  	[tilespmem:s23], [sflag:$0x2] =	stream.indirect_vreg.gather [hbm4b:s1+s3], $0x80, v3, vm0, $0xb8;
	[tilespmem:$0x12200] =	vst v63  }
0xd2: {  	v3 =	vld [tilespmem:$0x170];
	_ =	sdelay $0x4  }
0xd3: {  	v62 =	vshll.u32 v3, $0x1  }
0xd4: {  	v3 =	vand.u32 $0x7, v3;
	v4 =	vand.u32 $0xFFFFFFF0, v62  }
0xd5: {  	v3 =	vor.u32 v3, v4  }
0xd6: {  	v4 =	vperm.xlane v3, v0;
	_ =	sdelay $0x1  }
0xd7: {  	v3 =	vperm.xlane v3, v2;
	v4 =	vadd.s32 v1, v4;
	_ =	sdelay $0x1  }
0xd8: {  	v3 =	vadd.s32 v1, v3;
	_ =	sdelay $0x2  }
0xd9: {  	[tilespmem:s24], [sflag:$0x2] =	stream.indirect_vreg.gather [hbm4b:s1+s3], $0x80, v4, vm0, $0xb8;
	[tilespmem:$0x12200] =	vst v63  }
0xda: {  	_ = 	snop  }
0xdb: {  	[tilespmem:s25], [sflag:$0x2] =	stream.indirect_vreg.gather [hbm4b:s1+s3], $0x80, v3, vm0, $0xb8;
	[tilespmem:$0x12200] =	vst v63  }
0xdc: {  	v3 =	vld [tilespmem:$0x180];
	_ =	sdelay $0x4  }
0xdd: {  	v63 =	vshll.u32 v3, $0x1  }
0xde: {  	v3 =	vand.u32 $0x7, v3;
	v4 =	vand.u32 $0xFFFFFFF0, v63  }
0xdf: {  	v3 =	vor.u32 v3, v4  }
0xe0: {  	v4 =	vperm.xlane v3, v0;
	_ =	sdelay $0x1  }
0xe1: {  	v3 =	vperm.xlane v3, v2;
	v4 =	vadd.s32 v1, v4;
	_ =	sdelay $0x1  }
0xe2: {  	v3 =	vadd.s32 v1, v3;
	_ =	sdelay $0x2  }
0xe3: {  	[tilespmem:s26], [sflag:$0x2] =	stream.indirect_vreg.gather [hbm4b:s1+s3], $0x80, v4, vm0, $0xb8;
	[tilespmem:$0x12200] =	vst v63  }
0xe4: {  	_ = 	snop  }
0xe5: {  	[tilespmem:s28], [sflag:$0x2] =	stream.indirect_vreg.gather [hbm4b:s1+s3], $0x80, v3, vm0, $0xb8;
	[tilespmem:$0x12200] =	vst v63  }
0xe6: {  	_ =	swait.ge [sflag:s29], $0x9000  }
0xe7: {  	[sflag:s29] =	ssyncset.done $0x0  }
0xe8: {  	s7 =	rddreg [dreg:$0x6];
	[sflag:s29] =	ssyncadd.s32 $0xFFFF7000  }
0xe9: {  	[hbm4b:s7+s3] =	stream.linear.scatter [tilespmem:s6], [sflag:$0x3], $0x9000, $0x38;
	[tilespmem:$0x12200] =	vst v63  }
0xea: {  	_ =	swait.ge [sflag:s30], $0x9000  }
0xeb: {  	[sflag:s30] =	ssyncset.done $0x0  }
0xec: {  	s7 =	rddreg [dreg:$0x7];
	[sflag:s30] =	ssyncadd.s32 $0xFFFF7000  }
0xed: {  	[hbm4b:s7+s3] =	stream.linear.scatter [tilespmem:s10], [sflag:$0x4], $0x9000, $0x38;
	[tilespmem:$0x12200] =	vst v63  }
0xee: {  	p0 =	sne.s32 s4, $0x1;
	_ =	swait.ge [sflag:s31], $0x9000  }
.Ltmp0:
0xef: {  	[sflag:s31] =	ssyncset.done $0x0;
	(pc) =	sbr.rel @p0 .LBB2_1-.Ltmp0, $4  }
0xf0: {  	[sflag:s31] =	ssyncadd.s32 $0xFFFF7000  }
0xf1: {  	_ =	swait.ge [sflag:s2], $0x9000  }
0xf2: {  	[sflag:s2] =	ssyncset.done $0x0  }
0xf3: {  	s4 =	sadd.s32 $0xFFFFFFFF, s4;
	[sflag:s2] =	ssyncadd.s32 $0xFFFF7000  }
0xf4: {  	_ =	sfence.sel $0x180000  }
0xf5: {  	[bflag:$0x0] =	sbarrier.arrive $0xFFFF  }
0xf6: {  	_ =	strace $0x90000047  }
0xf7: {  	s0 =	stileid.u32;
	[bflag:$0x2] =	sbarrier.arrive $0xFFFF  }
0xf8: {  	p0 =	sne.s32 s0, $0x0;
	s0 =	rddreg [dreg:$0x3]  }
0xf9: {  	s0 =	sadd.s32 @!p0 $0x100000, s0  }
0xfa: {  	[sflag:s0] =	ssyncadd.tile.s32 @!p0 $0x1;
	_ =	shalt  }
.Lfunc_end2:
_tile_overlayer_lowered:
.L_overlay_start_2:
0xfb: {  	(tag) =	ssettag $0x2  }
0xfc: {  	s0 =	rddreg [dreg:$0x0];
	s2 =	stileid.u32  }
0xfd: {  	s1 =	rddreg [dreg:$0x1];
	p0 =	sne.s32 s2, $0x0  }
0xfe: {  	s3 =	rddreg [dreg:$0x2];
	[bflag:$0x3] =	sbarrier.arrive $0xFFFF;
	s2 =	simm.s32 @!p0 $0x1C05  }
0xff: {  	[timem:s3], [sflag:s2] =	dma.local @!p0 [hbm:s0], s1  }
0x100: {  	s0 =	simm.s32 @!p0 $0x5  }
0x101: {  	_ =	swait.ge @!p0 [sflag:s0], s1  }
0x102: {  	s1 =	ssub.s32 @!p0 $0x0, s1;
	[sflag:s0] =	ssyncset.done @!p0 $0x0  }
0x103: {  	[sflag:s0] =	ssyncadd.s32 @!p0 s1  }
0x104: {  	[bflag:$0x3] =	sbarrier.arrive $0xFFFF  }
0x105: {  	_ =	shalt  }

</sc_bundles>
